<compile_context>
chip_gen: v7x
topology: tpu7x:2x2x1
jax: 0.10.2.dev20260603
libtpu: 0.0.44.dev20260713+nightly
codegen_flags: <defaults>
</compile_context>

<pallas_src>
import functools

import jax
import jax.numpy as jnp
from jax import lax
from jax.experimental import pallas as pl
from jax.experimental.pallas import tpu as pltpu
from jax.experimental.pallas import tpu_sc as plsc

_N = 50000
_E = 800000
_D = 32
_R = 4
_H1 = 32
_H2 = 16

_NC, _NS = 2, 16
_NW = _NC * _NS
_PER_W = _E // _NW
_CHUNK = 1000
_NITER = _PER_W // _CHUNK

_B = 3200


def _sc_gather(x, idx_r, idx_c):
    mesh = plsc.VectorSubcoreMesh(core_axis_name="c", subcore_axis_name="s")

    @functools.partial(
        pl.kernel,
        mesh=mesh,
        compiler_params=pltpu.CompilerParams(use_tc_tiling_on_sc=False),
        out_type=(jax.ShapeDtypeStruct((_E, _D), jnp.float32),
                  jax.ShapeDtypeStruct((_E, _D), jnp.float32)),
        scratch_types=[
            pltpu.VMEM((_CHUNK,), jnp.int32),
            pltpu.VMEM((_CHUNK,), jnp.int32),
            pltpu.VMEM((_CHUNK, _D), jnp.float32),
            pltpu.VMEM((_CHUNK, _D), jnp.float32),
            pltpu.SemaphoreType.DMA,
            pltpu.SemaphoreType.DMA,
        ],
    )
    def gather_k(x_hbm, idxr_hbm, idxc_hbm, outr_hbm, outc_hbm,
                 idxr_v, idxc_v, rowsr_v, rowsc_v, semr, semc):
        wid = lax.axis_index("s") * _NC + lax.axis_index("c")
        base = wid * _PER_W

        def body(i, carry):
            off = base + i * _CHUNK
            pltpu.sync_copy(idxr_hbm.at[pl.ds(off, _CHUNK)], idxr_v)
            pltpu.sync_copy(idxc_hbm.at[pl.ds(off, _CHUNK)], idxc_v)
            cr = pltpu.async_copy(x_hbm.at[idxr_v], rowsr_v, semr)
            cc = pltpu.async_copy(x_hbm.at[idxc_v], rowsc_v, semc)
            cr.wait()
            cc.wait()
            pltpu.sync_copy(rowsr_v, outr_hbm.at[pl.ds(off, _CHUNK)])
            pltpu.sync_copy(rowsc_v, outc_hbm.at[pl.ds(off, _CHUNK)])
            return carry

        lax.fori_loop(0, _NITER, body, 0)

    return gather_k(x, idx_r, idx_c)


def _tc_body(gr_ref, gc_ref, ws_ref, wd_ref, vs_ref, vd_ref, ug_ref,
             ur_ref, b1_ref, w2t_ref, b2_ref, w3_ref, b3_ref, o_ref):
    gr = gr_ref[...]
    gc = gc_ref[...]
    u = jnp.dot(gr + gc, ws_ref[...], preferred_element_type=jnp.float32)
    v = jnp.dot(gr - gc, wd_ref[...], preferred_element_type=jnp.float32)
    h = (u - v) + v + b1_ref[...]
    hm = jnp.maximum(h, 0.0)
    h2 = jnp.dot(hm, w2t_ref[...], preferred_element_type=jnp.float32)
    h2 = jnp.maximum(h2 + b2_ref[...], 0.0)
    o = jnp.dot(h2, w3_ref[...], preferred_element_type=jnp.float32)
    o_ref[...] = o + b3_ref[...]


def _tc_mlp(gr, gc, ws, wd, vs, vd, ug, ur, b1c, w2t, b2, W3, b3):
    grid = (_E // _B,)
    edge_spec = lambda d: pl.BlockSpec((_B, d), lambda i: (i, 0))
    full = lambda sh: pl.BlockSpec(sh, lambda i: (0, 0))
    return pl.pallas_call(
        _tc_body,
        grid=grid,
        in_specs=[
            edge_spec(_D),
            edge_spec(_D),
            full((_D, _R * _H1)),
            full((_D, _R * _H1)),
            full((4, _R * _H1)),
            full((4, _R * _H1)),
            full((4, _R * _H1)),
            full((4, _R * _H1)),
            full((1, _R * _H1)),
            full((_R * _H1, _H2)),
            full((1, _H2)),
            full((_H2, 1)),
            full((1, 1)),
        ],
        out_specs=edge_spec(1),
        out_shape=jax.ShapeDtypeStruct((_E, 1), jnp.float32),
    )(gr, gc, ws, wd, vs, vd, ug, ur, b1c, w2t, b2, W3, b3)


def kernel(edge_index, relations, concs, x, W1, b1, W2, b2, W3, b3):
    idx_r = relations.astype(jnp.int32)
    idx_c = relations.astype(jnp.int32)
    gr, gc = _sc_gather(x, idx_r, idx_c)


    w1cat = W1.transpose(1, 0, 2).reshape(2 * (_D + 1), _R * _H1)
    w1a = w1cat[0:_D]
    wca = w1cat[_D:_D + 1]
    w1b = w1cat[_D + 1:2 * _D + 1]
    wcb = w1cat[2 * _D + 1:2 * _D + 2]

    kdim = _R * _H1
    zrow = jnp.zeros((1, kdim), jnp.float32)
    ones = jnp.ones((1, kdim), jnp.float32)
    ws = (w1a + w1b) * 0.5
    wd = (w1a - w1b) * 0.5
    vcs = (wca + wcb) * 0.5
    vcd = (wca - wcb) * 0.5
    vs = jnp.concatenate([zrow, vcs, vcs, zrow], axis=0)
    vd = jnp.concatenate([zrow, vcd, -vcd, zrow], axis=0)
    ug = jnp.concatenate([2.0 * ones, zrow, zrow, zrow], axis=0)
    ur = jnp.concatenate([zrow, zrow, zrow, ones], axis=0)
    w2t = jnp.tile(W2, (_R, 1))

    return _tc_mlp(gr, gc, ws, wd, vs, vd, ug, ur, b1.reshape(1, kdim),
                   w2t, b2.reshape(1, _H2), W3, b3.reshape(1, 1))

# --- scband reference (transcript-rebuilt; emitter-appended) ---
"""Pipeline reference for scband-mol-gnn-predictor-82454782148762 (READ-ONLY COPY).

The authoritative reference and input builder live on the scoring server;
editing this copy changes nothing except your own understanding.
"""

import jax, jax.numpy as jnp
import numpy as np

N = 50000   # n_nodes
E = 800000  # n_edges
D = 32      # mpnn_out_dim (node embedding dim)
R = 4       # num_relations
H1, H2 = 32, 16  # linear_channels
DIN = 2 * (D + 1)  # 66 = 2*mpnn_out_dim + 2 after conc concat + aggregate


def setup_inputs(seed: int = 0) -> dict:
    key = jax.random.key(seed)
    ks = jax.random.split(key, 8)
    edge_index = jax.random.randint(ks[0], (E, 2), 0, N)
    relations = jax.random.randint(ks[1], (E,), 0, R)
    concs = jax.random.uniform(ks[2], (E, 2), dtype=jnp.float32)
    # x stands in for self.mpnn.get_embed(graphs) node embeddings [N, mpnn_out_dim]
    x = jax.random.normal(ks[3], (N, D), dtype=jnp.float32) * 0.1
    # RelationAwareMLP params: first num_relation_lin_layers=1 layer is relation-specific
    W1 = jax.random.normal(ks[4], (R, DIN, H1), dtype=jnp.float32) * (1.0 / np.sqrt(DIN))
    b1 = jnp.zeros((R, H1), dtype=jnp.float32)
    W2 = jax.random.normal(ks[5], (H1, H2), dtype=jnp.float32) * (1.0 / np.sqrt(H1))
    b2 = jnp.zeros((H2,), dtype=jnp.float32)
    W3 = jax.random.normal(ks[6], (H2, 1), dtype=jnp.float32) * (1.0 / np.sqrt(H2))
    b3 = jnp.zeros((1,), dtype=jnp.float32)
    return {"edge_index": edge_index, "relations": relations, "concs": concs,
            "x": x, "W1": W1, "b1": b1, "W2": W2, "b2": b2, "W3": W3, "b3": b3}


def _aggregate(x_i, x_j):
    # mask = torch.rand(E) >= 0.5, broadcast over feature dim (deterministic key here)
    mask = (jax.random.uniform(jax.random.key(42), (x_i.shape[0],)) >= 0.5)
    m = mask[:, None].astype(x_i.dtype)
    row = x_i * m + x_j * (1.0 - m)
    col = x_i * (1.0 - m) + x_j * m
    return jnp.concatenate([row, col], axis=1)


def reference(edge_index, relations, concs, x, W1, b1, W2, b2, W3, b3):
    row = edge_index[:, 0]
    col = edge_index[:, 1]
    # gather node embeddings per edge endpoint (SparseCore gather)
    x_i = jnp.concatenate([jnp.take(x, row, axis=0), concs[:, 0:1]], axis=1)
    x_j = jnp.concatenate([jnp.take(x, col, axis=0), concs[:, 1:2]], axis=1)
    z = _aggregate(x_i, x_j)  # [E, DIN]
    # relation-aware first layer: compute all R projections, select per-edge relation
    h_all = z @ W1.transpose(1, 0, 2).reshape(DIN, R * H1) + b1.reshape(R * H1)
    h_all = h_all.reshape(E, R, H1)
    h = jnp.take_along_axis(h_all, relations[:, None, None], axis=1)[:, 0, :]
    h = jax.nn.relu(h)
    h = jax.nn.relu(h @ W2 + b2)
    out = h @ W3 + b3
    return out

if __name__ == "__main__":
    import jax
    _d = setup_inputs()
    print(jax.jit(kernel)(*tuple(_d.values())))

</pallas_src>

<mosaic_0001>
#map = affine_map<(d0, d1) -> (0, 0)>
#map1 = affine_map<(d0, d1) -> (0)>
module attributes {stable_mosaic.version = 14 : i64} {
  func.func @gather_k(%arg0: i32, %arg1: i32, %arg2: memref<50000x32xf32, #tpu.memory_space<hbm>>, %arg3: memref<800000xi32, #tpu.memory_space<hbm>>, %arg4: memref<800000xi32, #tpu.memory_space<hbm>>, %arg5: memref<800000x32xf32, #tpu.memory_space<hbm>>, %arg6: memref<800000x32xf32, #tpu.memory_space<hbm>>, %arg7: memref<1000xi32, #tpu.memory_space<vmem>>, %arg8: memref<1000xi32, #tpu.memory_space<vmem>>, %arg9: memref<1000x32xf32, #tpu.memory_space<vmem>>, %arg10: memref<1000x32xf32, #tpu.memory_space<vmem>>, %arg11: memref<!tpu.dma_semaphore, #tpu.memory_space<semaphore_mem>>, %arg12: memref<!tpu.dma_semaphore, #tpu.memory_space<semaphore_mem>>) attributes {dimension_semantics = [#tpu.dimension_semantics<core_parallel>, #tpu.dimension_semantics<subcore_parallel>], iteration_bounds = array<i64: 2, 16>, scalar_prefetch = 0 : i64, scratch_operands = 6 : i64, tpu.core_type = #tpu.core_type<sc_vector_subcore>, window_params = [{transform_indices = #map}, {transform_indices = #map1}, {transform_indices = #map1}, {transform_indices = #map}, {transform_indices = #map}]} {
    %mul3A = arith.constant 2 : i32
    %mul3A_0 = arith.muli %arg1, %mul3A : i32
    %add3A = arith.addi %mul3A_0, %arg0 : i32
    %mul3A_1 = arith.constant 25000 : i32
    %mul3A_2 = arith.muli %add3A, %mul3A_1 : i32
    %scan3A = arith.constant 0 : i32
    %scan3A_3 = arith.constant 0 : i32
    %scan3A_4 = arith.constant 25 : i32
    %scan3A_5 = arith.addi %scan3A_3, %scan3A_4 : i32
    %scan3A_6 = arith.constant 1 : i32
    scf.for %scan3A_8 = %scan3A_3 to %scan3A_5 step %scan3A_6  : i32 {
      %mul3A_9 = arith.constant 1000 : i32
      %mul3A_10 = arith.muli %scan3A_8, %mul3A_9 : i32
      %add3A_11 = arith.addi %mul3A_2, %mul3A_10 : i32
      "tpu.region"() ({
        %run_scoped3A = tpu.sem_alloc : memref<!tpu.dma_semaphore, #tpu.memory_space<semaphore_mem>>
        %dma_start3A_22 = tpu.memref_slice %arg3[%add3A_11] : memref<800000xi32, #tpu.memory_space<hbm>> -> memref<1000xi32, #tpu.memory_space<hbm>>
        %dma_start3A_23 = tpu.memref_slice %arg3[%add3A_11] : memref<800000xi32, #tpu.memory_space<hbm>> -> memref<1000xi32, #tpu.memory_space<hbm>>
        tpu.enqueue_dma source(%dma_start3A_23 : memref<1000xi32, #tpu.memory_space<hbm>>) target(%arg7 : memref<1000xi32, #tpu.memory_space<vmem>>) target_semaphore(%run_scoped3A : memref<!tpu.dma_semaphore, #tpu.memory_space<semaphore_mem>>)
        %dma_wait3A_24 = tpu.memref_slice %arg3[%add3A_11] : memref<800000xi32, #tpu.memory_space<hbm>> -> memref<1000xi32, #tpu.memory_space<hbm>>
        %dma_wait3A_25 = tpu.memref_slice %arg3[%add3A_11] : memref<800000xi32, #tpu.memory_space<hbm>> -> memref<1000xi32, #tpu.memory_space<hbm>>
        tpu.wait_dma2 semaphore(%run_scoped3A : memref<!tpu.dma_semaphore, #tpu.memory_space<semaphore_mem>>) src(%dma_wait3A_25 : memref<1000xi32, #tpu.memory_space<hbm>>) dst(%arg7 : memref<1000xi32, #tpu.memory_space<vmem>>)
        tpu.yield
      }) : () -> ()
      "tpu.region"() ({
        %run_scoped3A = tpu.sem_alloc : memref<!tpu.dma_semaphore, #tpu.memory_space<semaphore_mem>>
        %dma_start3A_22 = tpu.memref_slice %arg4[%add3A_11] : memref<800000xi32, #tpu.memory_space<hbm>> -> memref<1000xi32, #tpu.memory_space<hbm>>
        %dma_start3A_23 = tpu.memref_slice %arg4[%add3A_11] : memref<800000xi32, #tpu.memory_space<hbm>> -> memref<1000xi32, #tpu.memory_space<hbm>>
        tpu.enqueue_dma source(%dma_start3A_23 : memref<1000xi32, #tpu.memory_space<hbm>>) target(%arg8 : memref<1000xi32, #tpu.memory_space<vmem>>) target_semaphore(%run_scoped3A : memref<!tpu.dma_semaphore, #tpu.memory_space<semaphore_mem>>)
        %dma_wait3A_24 = tpu.memref_slice %arg4[%add3A_11] : memref<800000xi32, #tpu.memory_space<hbm>> -> memref<1000xi32, #tpu.memory_space<hbm>>
        %dma_wait3A_25 = tpu.memref_slice %arg4[%add3A_11] : memref<800000xi32, #tpu.memory_space<hbm>> -> memref<1000xi32, #tpu.memory_space<hbm>>
        tpu.wait_dma2 semaphore(%run_scoped3A : memref<!tpu.dma_semaphore, #tpu.memory_space<semaphore_mem>>) src(%dma_wait3A_25 : memref<1000xi32, #tpu.memory_space<hbm>>) dst(%arg8 : memref<1000xi32, #tpu.memory_space<vmem>>)
        tpu.yield
      }) : () -> ()
      %dma_start3A = arith.constant 0 : i32
      %dma_start3A_12 = arith.constant 0 : i32
      %dma_start3A_13 = tpu.memref_slice %arg2[%dma_start3A, %dma_start3A_12] : memref<50000x32xf32, #tpu.memory_space<hbm>> -> memref<50000x32xf32, #tpu.memory_space<hbm>>
      tpu.enqueue_indirect_dma source(%dma_start3A_13 : memref<50000x32xf32, #tpu.memory_space<hbm>>) target(%arg9 : memref<1000x32xf32, #tpu.memory_space<vmem>>) offsets(%arg7 : memref<1000xi32, #tpu.memory_space<vmem>>) semaphore(%arg11 : memref<!tpu.dma_semaphore, #tpu.memory_space<semaphore_mem>>)
      %dma_start3A_14 = arith.constant 0 : i32
      %dma_start3A_15 = arith.constant 0 : i32
      %dma_start3A_16 = tpu.memref_slice %arg2[%dma_start3A_14, %dma_start3A_15] : memref<50000x32xf32, #tpu.memory_space<hbm>> -> memref<50000x32xf32, #tpu.memory_space<hbm>>
      tpu.enqueue_indirect_dma source(%dma_start3A_16 : memref<50000x32xf32, #tpu.memory_space<hbm>>) target(%arg10 : memref<1000x32xf32, #tpu.memory_space<vmem>>) offsets(%arg8 : memref<1000xi32, #tpu.memory_space<vmem>>) semaphore(%arg12 : memref<!tpu.dma_semaphore, #tpu.memory_space<semaphore_mem>>)
      %dma_wait3A = arith.constant 0 : i32
      %dma_wait3A_17 = arith.constant 0 : i32
      %dma_wait3A_18 = tpu.memref_slice %arg2[%dma_wait3A, %dma_wait3A_17] : memref<50000x32xf32, #tpu.memory_space<hbm>> -> memref<50000x32xf32, #tpu.memory_space<hbm>>
      tpu.wait_indirect_dma semaphore(%arg11 : memref<!tpu.dma_semaphore, #tpu.memory_space<semaphore_mem>>) src(%dma_wait3A_18 : memref<50000x32xf32, #tpu.memory_space<hbm>>) dst(%arg9 : memref<1000x32xf32, #tpu.memory_space<vmem>>)
      %dma_wait3A_19 = arith.constant 0 : i32
      %dma_wait3A_20 = arith.constant 0 : i32
      %dma_wait3A_21 = tpu.memref_slice %arg2[%dma_wait3A_19, %dma_wait3A_20] : memref<50000x32xf32, #tpu.memory_space<hbm>> -> memref<50000x32xf32, #tpu.memory_space<hbm>>
      tpu.wait_indirect_dma semaphore(%arg12 : memref<!tpu.dma_semaphore, #tpu.memory_space<semaphore_mem>>) src(%dma_wait3A_21 : memref<50000x32xf32, #tpu.memory_space<hbm>>) dst(%arg10 : memref<1000x32xf32, #tpu.memory_space<vmem>>)
      "tpu.region"() ({
        %run_scoped3A = tpu.sem_alloc : memref<!tpu.dma_semaphore, #tpu.memory_space<semaphore_mem>>
        %dma_start3A_22 = arith.constant 0 : i32
        %dma_start3A_23 = tpu.memref_slice %arg5[%add3A_11, %dma_start3A_22] : memref<800000x32xf32, #tpu.memory_space<hbm>> -> memref<1000x32xf32, #tpu.memory_space<hbm>>
        %dma_start3A_24 = arith.constant 0 : i32
        %dma_start3A_25 = tpu.memref_slice %arg5[%add3A_11, %dma_start3A_24] : memref<800000x32xf32, #tpu.memory_space<hbm>> -> memref<1000x32xf32, #tpu.memory_space<hbm>>
        tpu.enqueue_dma source(%arg9 : memref<1000x32xf32, #tpu.memory_space<vmem>>) target(%dma_start3A_25 : memref<1000x32xf32, #tpu.memory_space<hbm>>) target_semaphore(%run_scoped3A : memref<!tpu.dma_semaphore, #tpu.memory_space<semaphore_mem>>)
        %dma_wait3A_26 = arith.constant 0 : i32
        %dma_wait3A_27 = tpu.memref_slice %arg5[%add3A_11, %dma_wait3A_26] : memref<800000x32xf32, #tpu.memory_space<hbm>> -> memref<1000x32xf32, #tpu.memory_space<hbm>>
        %dma_wait3A_28 = arith.constant 0 : i32
        %dma_wait3A_29 = tpu.memref_slice %arg5[%add3A_11, %dma_wait3A_28] : memref<800000x32xf32, #tpu.memory_space<hbm>> -> memref<1000x32xf32, #tpu.memory_space<hbm>>
        tpu.wait_dma2 semaphore(%run_scoped3A : memref<!tpu.dma_semaphore, #tpu.memory_space<semaphore_mem>>) src(%arg9 : memref<1000x32xf32, #tpu.memory_space<vmem>>) dst(%dma_wait3A_29 : memref<1000x32xf32, #tpu.memory_space<hbm>>)
        tpu.yield
      }) : () -> ()
      "tpu.region"() ({
        %run_scoped3A = tpu.sem_alloc : memref<!tpu.dma_semaphore, #tpu.memory_space<semaphore_mem>>
        %dma_start3A_22 = arith.constant 0 : i32
        %dma_start3A_23 = tpu.memref_slice %arg6[%add3A_11, %dma_start3A_22] : memref<800000x32xf32, #tpu.memory_space<hbm>> -> memref<1000x32xf32, #tpu.memory_space<hbm>>
        %dma_start3A_24 = arith.constant 0 : i32
        %dma_start3A_25 = tpu.memref_slice %arg6[%add3A_11, %dma_start3A_24] : memref<800000x32xf32, #tpu.memory_space<hbm>> -> memref<1000x32xf32, #tpu.memory_space<hbm>>
        tpu.enqueue_dma source(%arg10 : memref<1000x32xf32, #tpu.memory_space<vmem>>) target(%dma_start3A_25 : memref<1000x32xf32, #tpu.memory_space<hbm>>) target_semaphore(%run_scoped3A : memref<!tpu.dma_semaphore, #tpu.memory_space<semaphore_mem>>)
        %dma_wait3A_26 = arith.constant 0 : i32
        %dma_wait3A_27 = tpu.memref_slice %arg6[%add3A_11, %dma_wait3A_26] : memref<800000x32xf32, #tpu.memory_space<hbm>> -> memref<1000x32xf32, #tpu.memory_space<hbm>>
        %dma_wait3A_28 = arith.constant 0 : i32
        %dma_wait3A_29 = tpu.memref_slice %arg6[%add3A_11, %dma_wait3A_28] : memref<800000x32xf32, #tpu.memory_space<hbm>> -> memref<1000x32xf32, #tpu.memory_space<hbm>>
        tpu.wait_dma2 semaphore(%run_scoped3A : memref<!tpu.dma_semaphore, #tpu.memory_space<semaphore_mem>>) src(%arg10 : memref<1000x32xf32, #tpu.memory_space<vmem>>) dst(%dma_wait3A_29 : memref<1000x32xf32, #tpu.memory_space<hbm>>)
        tpu.yield
      }) : () -> ()
    }
    %scan3A_7 = arith.constant 25 : i32
    return
  }
}

module attributes {stable_mosaic.version = 14 : i64} {
  func.func @_tc_body(%arg0: i32, %arg1: memref<3200x32xf32, #tpu.memory_space<vmem>>, %arg2: memref<3200x32xf32, #tpu.memory_space<vmem>>, %arg3: memref<32x128xf32, #tpu.memory_space<vmem>>, %arg4: memref<32x128xf32, #tpu.memory_space<vmem>>, %arg5: memref<4x128xf32, #tpu.memory_space<vmem>>, %arg6: memref<4x128xf32, #tpu.memory_space<vmem>>, %arg7: memref<4x128xf32, #tpu.memory_space<vmem>>, %arg8: memref<4x128xf32, #tpu.memory_space<vmem>>, %arg9: memref<1x128xf32, #tpu.memory_space<vmem>>, %arg10: memref<128x16xf32, #tpu.memory_space<vmem>>, %arg11: memref<1x16xf32, #tpu.memory_space<vmem>>, %arg12: memref<16x1xf32, #tpu.memory_space<vmem>>, %arg13: memref<1x1xf32, #tpu.memory_space<vmem>>, %arg14: memref<3200x1xf32, #tpu.memory_space<vmem>>) attributes {dimension_semantics = [#tpu.dimension_semantics<arbitrary>], iteration_bounds = array<i64: 250>, scalar_prefetch = 0 : i64, scratch_operands = 0 : i64, tpu.core_type = #tpu.core_type<tc>, window_params = [{transform_indices = @transform_0, window_bounds = array<i64: 3200, 32>}, {transform_indices = @transform_1, window_bounds = array<i64: 3200, 32>}, {pipeline_mode = #tpu.pipeline_mode<synchronous>, transform_indices = @transform_2, window_bounds = array<i64: 32, 128>}, {pipeline_mode = #tpu.pipeline_mode<synchronous>, transform_indices = @transform_3, window_bounds = array<i64: 32, 128>}, {pipeline_mode = #tpu.pipeline_mode<synchronous>, transform_indices = @transform_4, window_bounds = array<i64: 4, 128>}, {pipeline_mode = #tpu.pipeline_mode<synchronous>, transform_indices = @transform_5, window_bounds = array<i64: 4, 128>}, {pipeline_mode = #tpu.pipeline_mode<synchronous>, transform_indices = @transform_6, window_bounds = array<i64: 4, 128>}, {pipeline_mode = #tpu.pipeline_mode<synchronous>, transform_indices = @transform_7, window_bounds = array<i64: 4, 128>}, {pipeline_mode = #tpu.pipeline_mode<synchronous>, transform_indices = @transform_8, window_bounds = array<i64: 1, 128>}, {pipeline_mode = #tpu.pipeline_mode<synchronous>, transform_indices = @transform_9, window_bounds = array<i64: 128, 16>}, {pipeline_mode = #tpu.pipeline_mode<synchronous>, transform_indices = @transform_10, window_bounds = array<i64: 1, 16>}, {pipeline_mode = #tpu.pipeline_mode<synchronous>, transform_indices = @transform_11, window_bounds = array<i64: 16, 1>}, {pipeline_mode = #tpu.pipeline_mode<synchronous>, transform_indices = @transform_12, window_bounds = array<i64: 1, 1>}, {transform_indices = @transform_13, window_bounds = array<i64: 3200, 1>}]} {
    %get3A = arith.constant 0 : index
    %get3A_0 = arith.constant 0 : index
    %get3A_1 = vector.load %arg1[%get3A, %get3A_0] : memref<3200x32xf32, #tpu.memory_space<vmem>>, vector<3200x32xf32>
    %get3A_2 = arith.constant 0 : index
    %get3A_3 = arith.constant 0 : index
    %get3A_4 = vector.load %arg2[%get3A_2, %get3A_3] : memref<3200x32xf32, #tpu.memory_space<vmem>>, vector<3200x32xf32>
    %add3A = arith.addf %get3A_1, %get3A_4 : vector<3200x32xf32>
    %get3A_5 = arith.constant 0 : index
    %get3A_6 = arith.constant 0 : index
    %get3A_7 = vector.load %arg3[%get3A_5, %get3A_6] : memref<32x128xf32, #tpu.memory_space<vmem>>, vector<32x128xf32>
    %dot_general3A = arith.constant dense<0.000000e+00> : vector<3200x128xf32>
    %dot_general3A_8 = tpu.matmul %add3A, %get3A_7, %dot_general3A {dimension_numbers = #tpu.dot_dimension_numbers<[1], [0], [0], [1], [0, 0, 1, 1], [], []>, transpose_lhs_hint = false} : vector<3200x32xf32>, vector<32x128xf32>, vector<3200x128xf32> -> vector<3200x128xf32>
    %sub3A = arith.subf %get3A_1, %get3A_4 : vector<3200x32xf32>
    %get3A_9 = arith.constant 0 : index
    %get3A_10 = arith.constant 0 : index
    %get3A_11 = vector.load %arg4[%get3A_9, %get3A_10] : memref<32x128xf32, #tpu.memory_space<vmem>>, vector<32x128xf32>
    %dot_general3A_12 = arith.constant dense<0.000000e+00> : vector<3200x128xf32>
    %dot_general3A_13 = tpu.matmul %sub3A, %get3A_11, %dot_general3A_12 {dimension_numbers = #tpu.dot_dimension_numbers<[1], [0], [0], [1], [0, 0, 1, 1], [], []>, transpose_lhs_hint = false} : vector<3200x32xf32>, vector<32x128xf32>, vector<3200x128xf32> -> vector<3200x128xf32>
    %sub3A_14 = arith.subf %dot_general3A_8, %dot_general3A_13 : vector<3200x128xf32>
    %add3A_15 = arith.addf %sub3A_14, %dot_general3A_13 : vector<3200x128xf32>
    %get3A_16 = arith.constant 0 : index
    %get3A_17 = arith.constant 0 : index
    %get3A_18 = vector.load %arg9[%get3A_16, %get3A_17] : memref<1x128xf32, #tpu.memory_space<vmem>>, vector<1x128xf32>
    %add3A_19 = vector.broadcast %get3A_18 : vector<1x128xf32> to vector<3200x128xf32>
    %add3A_20 = arith.addf %add3A_15, %add3A_19 : vector<3200x128xf32>
    %max3A = arith.constant 0.000000e+00 : f32
    %max3A_21 = vector.broadcast %max3A : f32 to vector<3200x128xf32>
    %max3A_22 = arith.maximumf %add3A_20, %max3A_21 : vector<3200x128xf32>
    %get3A_23 = arith.constant 0 : index
    %get3A_24 = arith.constant 0 : index
    %get3A_25 = vector.load %arg10[%get3A_23, %get3A_24] : memref<128x16xf32, #tpu.memory_space<vmem>>, vector<128x16xf32>
    %dot_general3A_26 = arith.constant dense<0.000000e+00> : vector<3200x16xf32>
    %dot_general3A_27 = tpu.matmul %max3A_22, %get3A_25, %dot_general3A_26 {dimension_numbers = #tpu.dot_dimension_numbers<[1], [0], [0], [1], [0, 0, 1, 1], [], []>, transpose_lhs_hint = false} : vector<3200x128xf32>, vector<128x16xf32>, vector<3200x16xf32> -> vector<3200x16xf32>
    %get3A_28 = arith.constant 0 : index
    %get3A_29 = arith.constant 0 : index
    %get3A_30 = vector.load %arg11[%get3A_28, %get3A_29] : memref<1x16xf32, #tpu.memory_space<vmem>>, vector<1x16xf32>
    %add3A_31 = vector.broadcast %get3A_30 : vector<1x16xf32> to vector<3200x16xf32>
    %add3A_32 = arith.addf %dot_general3A_27, %add3A_31 : vector<3200x16xf32>
    %max3A_33 = arith.constant 0.000000e+00 : f32
    %max3A_34 = vector.broadcast %max3A_33 : f32 to vector<3200x16xf32>
    %max3A_35 = arith.maximumf %add3A_32, %max3A_34 : vector<3200x16xf32>
    %get3A_36 = arith.constant 0 : index
    %get3A_37 = arith.constant 0 : index
    %get3A_38 = vector.load %arg12[%get3A_36, %get3A_37] : memref<16x1xf32, #tpu.memory_space<vmem>>, vector<16x1xf32>
    %dot_general3A_39 = arith.constant dense<0.000000e+00> : vector<3200x1xf32>
    %dot_general3A_40 = tpu.matmul %max3A_35, %get3A_38, %dot_general3A_39 {dimension_numbers = #tpu.dot_dimension_numbers<[1], [0], [0], [1], [0, 0, 1, 1], [], []>, transpose_lhs_hint = false} : vector<3200x16xf32>, vector<16x1xf32>, vector<3200x1xf32> -> vector<3200x1xf32>
    %get3A_41 = arith.constant 0 : index
    %get3A_42 = arith.constant 0 : index
    %get3A_43 = vector.load %arg13[%get3A_41, %get3A_42] : memref<1x1xf32, #tpu.memory_space<vmem>>, vector<1x1xf32>
    %add3A_44 = vector.broadcast %get3A_43 : vector<1x1xf32> to vector<3200x1xf32>
    %add3A_45 = arith.addf %dot_general3A_40, %add3A_44 : vector<3200x1xf32>
    %swap3A = arith.constant 0 : index
    %swap3A_46 = arith.constant 0 : index
    %swap3A_47 = vector.load %arg14[%swap3A, %swap3A_46] : memref<3200x1xf32, #tpu.memory_space<vmem>>, vector<3200x1xf32>
    tpu.vector_store %arg14[%swap3A, %swap3A_46], %add3A_45 {strides = array<i32>} : memref<3200x1xf32, #tpu.memory_space<vmem>>, vector<3200x1xf32>,
    return
  }
  func.func @transform_0(%arg0: i32) -> (i32, i32) {
    %c0_i32 = arith.constant 0 : i32
    %c0_i32_0 = arith.constant 0 : i32
    return %arg0, %c0_i32 : i32, i32
  }
  func.func @transform_1(%arg0: i32) -> (i32, i32) {
    %c0_i32 = arith.constant 0 : i32
    %c0_i32_0 = arith.constant 0 : i32
    return %arg0, %c0_i32 : i32, i32
  }
  func.func @transform_2(%arg0: i32) -> (i32, i32) {
    %c0_i32 = arith.constant 0 : i32
    %c0_i32_0 = arith.constant 0 : i32
    %c0_i32_1 = arith.constant 0 : i32
    return %c0_i32, %c0_i32_0 : i32, i32
  }
  func.func @transform_3(%arg0: i32) -> (i32, i32) {
    %c0_i32 = arith.constant 0 : i32
    %c0_i32_0 = arith.constant 0 : i32
    %c0_i32_1 = arith.constant 0 : i32
    return %c0_i32, %c0_i32_0 : i32, i32
  }
  func.func @transform_4(%arg0: i32) -> (i32, i32) {
    %c0_i32 = arith.constant 0 : i32
    %c0_i32_0 = arith.constant 0 : i32
    %c0_i32_1 = arith.constant 0 : i32
    return %c0_i32, %c0_i32_0 : i32, i32
  }
  func.func @transform_5(%arg0: i32) -> (i32, i32) {
    %c0_i32 = arith.constant 0 : i32
    %c0_i32_0 = arith.constant 0 : i32
    %c0_i32_1 = arith.constant 0 : i32
    return %c0_i32, %c0_i32_0 : i32, i32
  }
  func.func @transform_6(%arg0: i32) -> (i32, i32) {
    %c0_i32 = arith.constant 0 : i32
    %c0_i32_0 = arith.constant 0 : i32
    %c0_i32_1 = arith.constant 0 : i32
    return %c0_i32, %c0_i32_0 : i32, i32
  }
  func.func @transform_7(%arg0: i32) -> (i32, i32) {
    %c0_i32 = arith.constant 0 : i32
    %c0_i32_0 = arith.constant 0 : i32
    %c0_i32_1 = arith.constant 0 : i32
    return %c0_i32, %c0_i32_0 : i32, i32
  }
  func.func @transform_8(%arg0: i32) -> (i32, i32) {
    %c0_i32 = arith.constant 0 : i32
    %c0_i32_0 = arith.constant 0 : i32
    %c0_i32_1 = arith.constant 0 : i32
    return %c0_i32, %c0_i32_0 : i32, i32
  }
  func.func @transform_9(%arg0: i32) -> (i32, i32) {
    %c0_i32 = arith.constant 0 : i32
    %c0_i32_0 = arith.constant 0 : i32
    %c0_i32_1 = arith.constant 0 : i32
    return %c0_i32, %c0_i32_0 : i32, i32
  }
  func.func @transform_10(%arg0: i32) -> (i32, i32) {
    %c0_i32 = arith.constant 0 : i32
    %c0_i32_0 = arith.constant 0 : i32
    %c0_i32_1 = arith.constant 0 : i32
    return %c0_i32, %c0_i32_0 : i32, i32
  }
  func.func @transform_11(%arg0: i32) -> (i32, i32) {
    %c0_i32 = arith.constant 0 : i32
    %c0_i32_0 = arith.constant 0 : i32
    %c0_i32_1 = arith.constant 0 : i32
    return %c0_i32, %c0_i32_0 : i32, i32
  }
  func.func @transform_12(%arg0: i32) -> (i32, i32) {
    %c0_i32 = arith.constant 0 : i32
    %c0_i32_0 = arith.constant 0 : i32
    %c0_i32_1 = arith.constant 0 : i32
    return %c0_i32, %c0_i32_0 : i32, i32
  }
  func.func @transform_13(%arg0: i32) -> (i32, i32) {
    %c0_i32 = arith.constant 0 : i32
    %c0_i32_0 = arith.constant 0 : i32
    return %arg0, %c0_i32 : i32, i32
  }
}

</mosaic_0001>

<sc_bundles>
// kernel: kernel.4.cloned.1.call-start
scs
__scs_entry_jumppad:
0x0: {  	(pc) =	sbr.rel $0x88, $3  }
0x1: {  	(tag) =	ssettag $0x0;
	lr =	simm.s32 $0x1  }
0x2: {  	[smem:$0x3F99] =	sst lr;
	_ =	strace $0xD0000000  }
0x3: {  	_ = 	snop  }
0x4: {  	_ = 	snop  }
0x5: {  	_ = 	snop  }
0x6: {  	_ = 	snop  }
0x7: {  	_ = 	snop  }
__scs_overlays_trampoline_lowered:
0x8: {  	[smem:$0x3FA8] =	sst s0  }
0x9: {  	[smem:$0x3FA9] =	sst s1  }
0xa: {  	[smem:$0x3FAA] =	sst s2  }
0xb: {  	[smem:$0x3FAB] =	sst s3  }
0xc: {  	[smem:$0x3FAC] =	sst s4  }
0xd: {  	[smem:$0x3FAD] =	sst s5  }
0xe: {  	[smem:$0x3FAE] =	sst s6  }
0xf: {  	[smem:$0x3FAF] =	sst s7  }
0x10: {  	[smem:$0x3FB0] =	sst s8  }
0x11: {  	[smem:$0x3FB1] =	sst s9;
	s0 =	simm.s32 @!p0 $0x0  }
0x12: {  	s1 =	sld [smem:$0x3F97];
	s0 =	simm.s32 @p0 $0x1  }
0x13: {  	[smem:$0x3FB2] =	sst s0;
	s0 =	simm.s32 @!p1 $0x0  }
0x14: {  	s2 =	sld [smem:$0x3F96];
	s0 =	simm.s32 @p1 $0x1  }
0x15: {  	[smem:$0x3FB3] =	sst s0;
	s0 =	simm.s32 @!p2 $0x0  }
0x16: {  	s3 =	sld [smem:$0x3FDB];
	s0 =	simm.s32 @p2 $0x1  }
0x17: {  	s4 =	simm.s32 $0x1BF5;
	[smem:$0x3FB5] =	sst s0  }
0x18: {  	s0 =	sld [smem:$0x3F98];
	_ =	swait.ge [sflag:s4], $0x0  }
0x19: {  	s7 =	sld [smem:$0x3F99]  }
0x1a: {  	s8 =	sadd.s32 $0xFFFFE003, lr  }
0x1b: {  	s9 =	sadd.s32 $0xFFFFFEF7, lr;
	s5 =	simm.s32 $0xFFFFFFFF;
	p2 =	slt.u32 s8, $0xFFFFF086  }
0x1c: {  	p1 =	slt.u32 s9, $0xF7A;
	s5 =	simm.s32 @!p2 $0x0  }
0x1d: {  	s5 =	simm.s32 @p1 $0x1;
	p0 =	seq.s32 s7, s2  }
0x1e: {  	s7 =	smul.u32 @!p0 $0xF7A, s2;
	p2 =	seq.s32 @!p0 s5, $0x0  }
0x1f: {  	s9 =	smul.u32 $0xF7A, s1;
	s8 =	simm.s32 @!p0 $0x1BF5;
	p2 =	por !p2, p0  }
0x20: {  	[sflag:s8] =	ssyncset.s32 @!p0 $0xFFFFF086;
	s6 =	sadd.s32 @!p0 s3, s7;
	s7 =	simm.s32 @!p0 $0x108  }
0x21: {  	s3 =	sadd.s32 s3, s9;
	s6 =	sadd.s32 @!p0 $0x88, s6;
	s7 =	simm.s32 @p2 $0x1082  }
0x22: {  	[simem:s7], [sflag:s8] =	dma.local @!p0 [hbm:s6], $0xF7A  }
0x23: {  	s9 =	sor.u32 $0xD0000000, s2;
	s6 =	simm.s32 $0x108;
	_ =	swait.ge @!p0 [sflag:s8], $0x0  }
0x24: {  	s3 =	sadd.s32 $0x88, s3;
	s6 =	simm.s32 @!p1 $0x1082;
	[sflag:s4] =	ssyncset.s32 $0xFFFFF086  }
0x25: {  	[simem:s6], [sflag:s4] =	dma.local [hbm:s3], $0xF7A  }
0x26: {  	[smem:$0x3F99] =	sst s1;
	(tag) =	ssettag s2;
	_ =	strace s9  }
0x27: {  	s1 =	sld [smem:$0x3FA9]  }
0x28: {  	s2 =	sld [smem:$0x3FAA]  }
0x29: {  	s4 =	sld [smem:$0x3FAC]  }
0x2a: {  	p0 =	seq.s32 s5, $0x0;
	s5 =	sld [smem:$0x3FAD]  }
0x2b: {  	s6 =	sld [smem:$0x3FAE]  }
0x2c: {  	s7 =	sld [smem:$0x3FAF]  }
0x2d: {  	s3 =	simm.s32 $0x108;
	s8 =	sld [smem:$0x3FB0]  }
0x2e: {  	s3 =	simm.s32 @!p0 $0x1082;
	s9 =	sld [smem:$0x3FB1]  }
0x2f: {  	lr =	sadd.s32 s0, s3;
	s0 =	sld [smem:$0x3FA8]  }
0x30: {  	s3 =	sld [smem:$0x3FAB]  }
0x31: {  	[smem:$0x3FB4] =	sst s10  }
0x32: {  	s10 =	sld [smem:$0x3FB2];
	_ =	sdelay $0x3  }
0x33: {  	p0 =	seq.s32 s10, $0x1;
	s10 =	sld [smem:$0x3FB4];
	_ =	sdelay $0x3  }
0x34: {  	[smem:$0x3FB4] =	sst s10  }
0x35: {  	s10 =	sld [smem:$0x3FB3];
	_ =	sdelay $0x3  }
0x36: {  	p1 =	seq.s32 s10, $0x1;
	s10 =	sld [smem:$0x3FB4];
	_ =	sdelay $0x3  }
0x37: {  	[smem:$0x3FB4] =	sst s10  }
0x38: {  	s10 =	sld [smem:$0x3FB5]  }
0x39: {  	_ = 	snop;
	(pc) =	sbr.ind lr, $3  }
0x3a: {  	_ = 	snop  }
0x3b: {  	_ = 	snop  }
0x3c: {  	p2 =	seq.s32 s10, $0x1;
	s10 =	sld [smem:$0x3FB4]  }
0x3d: {  	_ =	shalt  }
0x3e: {  	_ =	shalt  }
0x3f: {  	_ =	shalt  }
0x40: {  	_ =	shalt  }
0x41: {  	_ =	shalt  }
0x42: {  	_ =	shalt  }
0x43: {  	_ =	shalt  }
0x44: {  	_ =	shalt  }
0x45: {  	_ =	shalt  }
0x46: {  	_ =	shalt  }
0x47: {  	_ =	shalt  }
0x48: {  	_ =	shalt  }
0x49: {  	_ =	shalt  }
0x4a: {  	_ =	shalt  }
0x4b: {  	_ =	shalt  }
0x4c: {  	_ =	shalt  }
0x4d: {  	_ =	shalt  }
0x4e: {  	_ =	shalt  }
0x4f: {  	_ =	shalt  }
0x50: {  	_ =	shalt  }
0x51: {  	_ =	shalt  }
0x52: {  	_ =	shalt  }
0x53: {  	_ =	shalt  }
0x54: {  	_ =	shalt  }
0x55: {  	_ =	shalt  }
0x56: {  	_ =	shalt  }
0x57: {  	_ =	shalt  }
0x58: {  	_ =	shalt  }
0x59: {  	_ =	shalt  }
0x5a: {  	_ =	shalt  }
0x5b: {  	_ =	shalt  }
0x5c: {  	_ =	shalt  }
0x5d: {  	_ =	shalt  }
0x5e: {  	_ =	shalt  }
0x5f: {  	_ =	shalt  }
0x60: {  	_ =	shalt  }
0x61: {  	_ =	shalt  }
0x62: {  	_ =	shalt  }
0x63: {  	_ =	shalt  }
0x64: {  	_ =	shalt  }
0x65: {  	_ =	shalt  }
0x66: {  	_ =	shalt  }
0x67: {  	_ =	shalt  }
0x68: {  	_ =	shalt  }
0x69: {  	_ =	shalt  }
0x6a: {  	_ =	shalt  }
0x6b: {  	_ =	shalt  }
0x6c: {  	_ =	shalt  }
0x6d: {  	_ =	shalt  }
0x6e: {  	_ =	shalt  }
0x6f: {  	_ =	shalt  }
0x70: {  	_ =	shalt  }
0x71: {  	_ =	shalt  }
0x72: {  	_ =	shalt  }
0x73: {  	_ =	shalt  }
0x74: {  	_ =	shalt  }
0x75: {  	_ =	shalt  }
0x76: {  	_ =	shalt  }
0x77: {  	_ =	shalt  }
0x78: {  	_ =	shalt  }
0x79: {  	_ =	shalt  }
0x7a: {  	_ =	shalt  }
0x7b: {  	_ =	shalt  }
0x7c: {  	_ =	shalt  }
0x7d: {  	_ =	shalt  }
0x7e: {  	_ =	shalt  }
0x7f: {  	_ =	shalt  }
0x80: {  	_ =	shalt  }
0x81: {  	_ =	shalt  }
0x82: {  	_ =	shalt  }
0x83: {  	_ =	shalt  }
0x84: {  	_ =	shalt  }
0x85: {  	_ =	shalt  }
0x86: {  	_ =	shalt  }
0x87: {  	_ =	shalt  }
.Lfunc_end0:
.L_simem_size_0:
called_computation_lowered:
.L_overlay_start_0:
0x88: {  	s2 =	sld [smem:$0x3FD9]  }
0x89: {  	s3 =	sld [smem:$0x3FFE];
	_ =	sdelay $0x1  }
0x8a: {  	s1 =	srdreg.scid  }
0x8b: {  	s0 =	sand.u32 $0x1, s1  }
0x8c: {  	s17 =	sshll.u32 s0, $0xA;
	s2 =	sadd.s32 s3, s2  }
0x8d: {  	s2 =	sadd.s32 s2, s17  }
0x8e: {  	[smem:$0x3FC0] =	sst s2  }
0x8f: {  	_ = 	snop  }
0x90: {  	s2 =	sld [smem:$0x3FC9];
	(tm) =	ssettm $0x1  }
0x91: {  	s18 =	sld [smem:$0x3FFB];
	_ =	sdelay $0x3  }
0x92: {  	_ =	strace s18  }
0x93: {  	s3 =	sld [smem:$0x3FFC];
	_ =	sdelay $0x3  }
0x94: {  	_ =	strace s3  }
0x95: {  	s3 =	sld [smem:$0x3FFD];
	_ =	sdelay $0x3  }
0x96: {  	_ =	strace s3  }
0x97: {  	_ =	strace $0x8FFFFFFF  }
0x98: {  	s19 =	sld [smem:$0x3FDB];
	_ =	sdelay $0x1  }
0x99: {  	s4 =	simm.s32 $_scs_section_size  }
0x9a: {  	s5 =	simm.s32 $_size__tile_overlayer_lowered;
	s6 =	simm.s32 $_tile_overlayer_lowered  }
0x9b: {  	s22 =	simm.s32 $0x1BFF;
	s21 =	sshll.u32 s6, $0x1;
	s3 =	sadd.s32 s4, s19  }
0x9c: {  	s7 =	simm.s32 $0x0;
	s20 =	sshll.u32 s5, $0x1;
	s5 =	sadd.s32 s21, s3  }
0x9d: {  	[timem:s7], [sflag:s22] =	dma.local [hbm:s5], s20  }
0x9e: {  	_ =	swait.ge [sflag:s22], s20  }
0x9f: {  	s4 =	ssub.s32 $0x0, s20;
	[sflag:s22] =	ssyncset.done $0x0  }
0xa0: {  	[sflag:s22] =	ssyncadd.s32 s4;
	_ =	sdelay $0x1  }
0xa1: {  	s23 =	simm.s32 $0x1B8B  }
0xa2: {  	_ =	swait.ge [sflag:s23], $0x1  }
0xa3: {  	[sflag:s23] =	ssyncset.done $0x0  }
0xa4: {  	s25 =	simm.s32 $0x1B8E;
	s24 =	sld [smem:$0x3FFE];
	[sflag:s23] =	ssyncadd.s32 $0xFFFFFFFF  }
0xa5: {  	s26 =	simm.s32 $execute0_lowered;
	[smem:$0x3FD2] =	sst s25  }
0xa6: {  	s5 =	sshll.u32 s26, $0x1;
	_ =	strace $0x80000046;
	[dreg:$0x1] =	wrdreg $0xFFFFFFFF  }
0xa7: {  	s28 =	simm.s32 $_size_execute0_lowered;
	s3 =	sadd.s32 s3, s5;
	[dreg:$0x0] =	wrdreg $0x0  }
0xa8: {  	s5 =	sshll.u32 s28, $0x1;
	[dreg:$0x2] =	wrdreg s3  }
0xa9: {  	[dreg:$0x3] =	wrdreg s5  }
0xaa: {  	[dreg:$0x4] =	wrdreg $0xC0  }
0xab: {  	_ =	task [dreg:s7], $0x5FFFF  }
0xac: {  	[dreg:$0x1] =	wrdreg $0xFFFFFFFF  }
0xad: {  	[dreg:$0x0] =	wrdreg $0x60  }
0xae: {  	[dreg:$0x2] =	wrdreg s24  }
0xaf: {  	[dreg:$0x3] =	wrdreg s2  }
0xb0: {  	[dreg:$0x4] =	wrdreg $0x9  }
0xb1: {  	_ =	task.clear_ibuf [dreg:s7], $0x5FFFF;
	_ =	strace $0x90000046  }
0xb2: {  	s29 =	simm.s32 $0x9;
	_ =	strace $0x80000048  }
0xb3: {  	_ =	swait.ge [sflag:s29], $0x1  }
0xb4: {  	[sflag:s29] =	ssyncadd.s32 $0xFFFFFFFF  }
0xb5: {  	_ =	strace $0x90000048  }
0xb6: {  	_ =	sfence  }
0xb7: {  	s30 =	sld [smem:$0x0];
	_ =	sdelay $0x2  }
0xb8: {  	s31 =	sshll.u32 s1, $0xD;
	s1 =	sshrl.u32 s1, $0x2  }
0xb9: {  	s3 =	sand.u32 $0x4000, s31;
	s1 =	sadd.s32 s1, s30  }
0xba: {  	s0 =	sor.u32 s3, s0;
	s1 =	sshll.u32 s1, $0x11  }
0xbb: {  	s0 =	sor.u32 s1, s0  }
0xbc: {  	s0 =	sadd.s32 $0x8F2B, s0  }
0xbd: {  	[sflag:s0] =	ssyncadd.remote.s32 $0x1  }
0xbe: {  	_ =	sfence.sel $0xFFFF  }
0xbf: {  	[dreg:$0x0] =	wrdreg $0xFFFFFFFF;
	(pc) =	sbr.abs _section_cstart, $3  }
0xc0: {  	[dreg:$0x1] =	wrdreg $0xFFFFFFFF  }
0xc1: {  	_ =	task.clear_ibuf [dreg:s7], $0x2FFFF;
	_ =	strace $0x9FFFFFFF  }
0xc2: {  	(tm) =	ssettm $0x7FFFFFFF  }
0xc3: {  	_ =	shalt  }
tec
execute0_lowered:
.L_overlay_start_1:
0x0: {  	(tag) =	ssettag $0x1  }
0x1: {  	s4 =	rddreg [dreg:$0x0];
	s0 =	stileid.u32  }
0x2: {  	s1 =	srdreg.scid;
	s7 =	rddreg [dreg:$0x1];
	s2 =	simm.s32 $0x0  }
0x3: {  	s11 =	simm.s32 $0x84D0;
	s12 =	simm.s32 $0x1;
	s5 =	smul.u32 $0x30D40, s0  }
0x4: {  	s13 =	simm.s32 $0x2;
	s3 =	sand.u32 $0x1, s1;
	s8 =	smul.u32 $0xC350, s0  }
0x5: {  	s14 =	simm.s32 $0x0;
	s1 =	rddreg [dreg:$0x2];
	s6 =	smul.u32 $0x186A0, s3  }
0x6: {  	[smem:$0x7FF] =	sst s2;
	s9 =	ssub.s32 $0x2, s3;
	s10 =	smul.u32 $0x61A8, s3  }
0x7: {  	s3 =	sadd.s32 $0x2400, s4;
	s4 =	sadd.s32 s5, s4;
	s31 =	sshrl.u32 s9, $0x1  }
0x8: {  	_ =	strace $0x80000047;
	s5 =	ssub.s32 s9, s31;
	s6 =	sadd.s32 s6, s4  }
0x9: {  	s8 =	sadd.s32 s10, s8;
	s9 =	simm.s32 $0x3E8;
	s10 =	simm.s32 $0x7D0  }
0xa: {  	s4 =	smax.u32 s5, $0x1;
	s5 =	sadd.s32 $0x33200, s6;
	s8 =	sshrl.u32 s8, $0x3  }
0xb: {  	s6 =	sadd.s32 $0x340600, s6;
	s7 =	sadd.s32 s8, s7;
	s8 =	simm.s32 $0x3  }
.LBB2_1:
0xc: {  	[tilespmem:s2], [sflag:$0x3] =	stream.linear.gather [hbm4b:s7+s2], $0x3E8, $0x38;
	[tilespmem:$0x101D0] =	vst v63  }
0xd: {  	_ =	swait.ge [sflag:s8], $0x3E8  }
0xe: {  	[sflag:s8] =	ssyncset.done $0x0  }
0xf: {  	[sflag:s8] =	ssyncadd.s32 $0xFFFFFC18  }
0x10: {  	[tilespmem:s9], [sflag:$0x3] =	stream.linear.gather [hbm4b:s7+s2], $0x3E8, $0x38;
	[tilespmem:$0x101D0] =	vst v63  }
0x11: {  	_ =	swait.ge [sflag:s8], $0x3E8  }
0x12: {  	[sflag:s8] =	ssyncset.done $0x0  }
0x13: {  	[sflag:s8] =	ssyncadd.s32 $0xFFFFFC18  }
0x14: {  	[tilespmem:s10], [sflag:$0x1] =	stream.indirect.gather [hbm4b:s3+s9], $0x20, s2, s9, $0xb8;
	[tilespmem:$0x101D0] =	vst v63  }
0x15: {  	_ = 	snop  }
0x16: {  	[tilespmem:s11], [sflag:$0x2] =	stream.indirect.gather [hbm4b:s3+s9], $0x20, s9, s9, $0xb8;
	[tilespmem:$0x101D0] =	vst v63  }
0x17: {  	_ =	swait.ge [sflag:s12], $0x7D00  }
0x18: {  	[sflag:s12] =	ssyncset.done $0x0  }
0x19: {  	[sflag:s12] =	ssyncadd.s32 $0xFFFF8300  }
0x1a: {  	_ =	swait.ge [sflag:s13], $0x7D00  }
0x1b: {  	[sflag:s13] =	ssyncset.done $0x0  }
0x1c: {  	s15 =	sadd.s32 $0x0, s6;
	[sflag:s13] =	ssyncadd.s32 $0xFFFF8300  }
0x1d: {  	[hbm4b:s15+s2] =	stream.linear.scatter [tilespmem:s10], [sflag:$0x3], $0x7D00, $0x38;
	[tilespmem:$0x101D0] =	vst v63  }
0x1e: {  	_ =	swait.ge [sflag:s8], $0x7D00  }
0x1f: {  	[sflag:s8] =	ssyncset.done $0x0  }
0x20: {  	s31 =	sadd.s32 $0x0, s5;
	[sflag:s8] =	ssyncadd.s32 $0xFFFF8300  }
0x21: {  	[hbm4b:s31+s2] =	stream.linear.scatter [tilespmem:s11], [sflag:$0x3], $0x7D00, $0x38;
	[tilespmem:$0x101D0] =	vst v63  }
0x22: {  	_ =	swait.ge [sflag:s8], $0x7D00  }
0x23: {  	s16 =	smov.u32 s7;
	s15 =	simm.s32 $0xFA0;
	[sflag:s8] =	ssyncset.done $0x0  }
.LBB2_2:
0x24: {  	p0 =	sne.s32 s15, $0x17700;
	[sflag:s8] =	ssyncadd.s32 $0xFFFF8300;
	s16 =	sadd.s32 $0x7D, s16  }
0x25: {  	[tilespmem:s2], [sflag:$0x3] =	stream.linear.gather [hbm4b:s16+s2], $0x3E8, $0x38;
	[tilespmem:$0x101D0] =	vst v63  }
0x26: {  	s17 =	smov.u32 s15;
	s15 =	sadd.s32 $0xFA0, s15;
	_ =	swait.ge [sflag:s8], $0x3E8  }
0x27: {  	[sflag:s8] =	ssyncset.done $0x0  }
0x28: {  	[sflag:s8] =	ssyncadd.s32 $0xFFFFFC18  }
0x29: {  	[tilespmem:s9], [sflag:$0x3] =	stream.linear.gather [hbm4b:s16+s2], $0x3E8, $0x38;
	[tilespmem:$0x101D0] =	vst v63  }
0x2a: {  	_ =	swait.ge [sflag:s8], $0x3E8  }
0x2b: {  	[sflag:s8] =	ssyncset.done $0x0  }
0x2c: {  	[sflag:s8] =	ssyncadd.s32 $0xFFFFFC18  }
0x2d: {  	[tilespmem:s10], [sflag:$0x1] =	stream.indirect.gather [hbm4b:s3+s9], $0x20, s2, s9, $0xb8;
	[tilespmem:$0x101D0] =	vst v63  }
0x2e: {  	_ = 	snop  }
0x2f: {  	[tilespmem:s11], [sflag:$0x2] =	stream.indirect.gather [hbm4b:s3+s9], $0x20, s9, s9, $0xb8;
	[tilespmem:$0x101D0] =	vst v63  }
0x30: {  	_ =	swait.ge [sflag:s12], $0x7D00  }
0x31: {  	[sflag:s12] =	ssyncset.done $0x0  }
0x32: {  	[sflag:s12] =	ssyncadd.s32 $0xFFFF8300  }
0x33: {  	_ =	swait.ge [sflag:s13], $0x7D00  }
0x34: {  	[sflag:s13] =	ssyncset.done $0x0  }
0x35: {  	s18 =	sadd.s32 s17, s6;
	[sflag:s13] =	ssyncadd.s32 $0xFFFF8300  }
0x36: {  	[hbm4b:s18+s2] =	stream.linear.scatter [tilespmem:s10], [sflag:$0x3], $0x7D00, $0x38;
	[tilespmem:$0x101D0] =	vst v63  }
0x37: {  	_ =	swait.ge [sflag:s8], $0x7D00  }
.Ltmp0:
0x38: {  	[sflag:s8] =	ssyncset.done $0x0;
	(pc) =	sbr.rel @p0 .LBB2_2-.Ltmp0, $4  }
0x39: {  	s17 =	sadd.s32 s17, s5;
	[sflag:s8] =	ssyncadd.s32 $0xFFFF8300  }
0x3a: {  	[hbm4b:s17+s2] =	stream.linear.scatter [tilespmem:s11], [sflag:$0x3], $0x7D00, $0x38;
	[tilespmem:$0x101D0] =	vst v63  }
0x3b: {  	_ =	swait.ge [sflag:s8], $0x7D00  }
0x3c: {  	[sflag:s8] =	ssyncset.done $0x0  }
0x3d: {  	s14 =	sadd.s32 $0x1, s14  }
0x3e: {  	p0 =	sne.s32 s14, s4  }
.Ltmp1:
0x3f: {  	_ = 	snop;
	(pc) =	sbr.rel @p0 .LBB2_1-.Ltmp1, $2  }
0x40: {  	_ =	sdelay $0x2  }
0x41: {  	[sflag:s8] =	ssyncadd.s32 $0xFFFF8300  }
0x42: {  	_ =	sfence.sel $0x180000  }
0x43: {  	[bflag:$0x0] =	sbarrier.arrive $0xFFFF  }
0x44: {  	p0 =	sne.s32 s0, $0x0;
	_ =	strace $0x90000047  }
0x45: {  	s0 =	sadd.s32 @!p0 $0x100000, s1;
	[bflag:$0x2] =	sbarrier.arrive $0xFFFF  }
0x46: {  	[sflag:s0] =	ssyncadd.tile.s32 @!p0 $0x1;
	_ =	shalt  }
.Lfunc_end2:
_tile_overlayer_lowered:
.L_overlay_start_2:
0x47: {  	(tag) =	ssettag $0x2  }
0x48: {  	s0 =	rddreg [dreg:$0x0];
	s2 =	stileid.u32  }
0x49: {  	s1 =	rddreg [dreg:$0x1];
	p0 =	sne.s32 s2, $0x0  }
0x4a: {  	s3 =	rddreg [dreg:$0x2];
	[bflag:$0x3] =	sbarrier.arrive $0xFFFF;
	s2 =	simm.s32 @!p0 $0x1C03  }
0x4b: {  	[timem:s3], [sflag:s2] =	dma.local @!p0 [hbm:s0], s1  }
0x4c: {  	s0 =	simm.s32 @!p0 $0x3  }
0x4d: {  	_ =	swait.ge @!p0 [sflag:s0], s1  }
0x4e: {  	s1 =	ssub.s32 @!p0 $0x0, s1;
	[sflag:s0] =	ssyncset.done @!p0 $0x0  }
0x4f: {  	[sflag:s0] =	ssyncadd.s32 @!p0 s1  }
0x50: {  	[bflag:$0x3] =	sbarrier.arrive $0xFFFF  }
0x51: {  	_ =	shalt  }

</sc_bundles>
